<compile_context>
chip_gen: v7x
topology: tpu7x:2x2x1
jax: 0.10.2.dev20260603
libtpu: 0.0.44.dev20260713+nightly
codegen_flags: <defaults>
</compile_context>

<pallas_src>
import functools

import jax
import jax.numpy as jnp
from jax import lax
from jax.experimental import pallas as pl
from jax.experimental.pallas import tpu as pltpu, tpu_sc as plsc

_B = 2048
_K = 1024
_D = 64
_BB = 512

_NC = 2
_NS = 16
_BPW = _B // (_NC * _NS)


def _dot(a, b):
    return lax.dot_general(a, b, (((1,), (0,)), ((), ())),
                           preferred_element_type=jnp.float32)


def _split(x):
    hi = x.astype(jnp.bfloat16)
    lo = (x - hi.astype(jnp.float32)).astype(jnp.bfloat16)
    return hi, lo


def _idx_block(ze_ref, emb_ref, idx_ref):
    ze = ze_ref[...]
    emb = emb_ref[...]
    ze_hi, ze_lo = _split(ze)
    emb_hi, emb_lo = _split(emb)
    m = _dot(ze_hi, emb_hi) + (_dot(ze_hi, emb_lo) + _dot(ze_lo, emb_hi))
    r = jnp.sum(ze * ze, axis=1, keepdims=True)
    c = jnp.sum(emb * emb, axis=0, keepdims=True)
    dist = r - 2.0 * m + c
    dmin = jnp.min(dist, axis=1, keepdims=True)
    ids = lax.broadcasted_iota(jnp.int32, dist.shape, 1)
    idx_ref[...] = jnp.min(jnp.where(dist == dmin, ids, jnp.int32(_D)),
                           axis=1, keepdims=True)


def _argmin_idx(ze, emb):
    return pl.pallas_call(
        _idx_block,
        grid=(_B // _BB,),
        in_specs=[
            pl.BlockSpec((_BB, _K), lambda i: (i, 0)),
            pl.BlockSpec((_K, _D), lambda i: (0, 0)),
        ],
        out_specs=pl.BlockSpec((_BB, 1), lambda i: (i, 0)),
        out_shape=jax.ShapeDtypeStruct((_B, 1), jnp.int32),
    )(ze, emb)


_CH = 16
_NCHUNK = _BPW // _CH


@functools.partial(
    pl.kernel,
    out_type=jax.ShapeDtypeStruct((_B, _K), jnp.float32),
    mesh=plsc.VectorSubcoreMesh(core_axis_name="c", subcore_axis_name="s"),
    scratch_types=[
        pltpu.VMEM((_BPW,), jnp.int32),
        pltpu.VMEM((2, _CH, _K), jnp.float32),
        [pltpu.SemaphoreType.DMA] * 2,
        [pltpu.SemaphoreType.DMA] * 2,
    ],
)
def _sc_gather(ze_hbm, idx_hbm, out_hbm, idx_v, rows_v, gsems, ssems):
    wid = lax.axis_index("s") * _NC + lax.axis_index("c")
    base = wid * _BPW
    pltpu.sync_copy(idx_hbm.at[pl.ds(base, _BPW)], idx_v)
    gathers = [None, None]
    stores = [None, None]
    for j in range(_NCHUNK):
        s = j % 2
        if stores[s] is not None:
            stores[s].wait()
        gathers[s] = pltpu.async_copy(
            ze_hbm.at[pl.ds(base + j * _CH, _CH)], rows_v.at[s], gsems[s])
        gathers[s].wait()
        stores[s] = pltpu.async_copy(
            rows_v.at[s], out_hbm.at[pl.ds(base + j * _CH, _CH)], ssems[s])
    for s in range(2):
        if stores[s] is not None:
            stores[s].wait()


def kernel(ze, emb):
    idx = _argmin_idx(ze, emb).reshape(_B)
    return _sc_gather(ze, idx)

# --- scband reference (transcript-rebuilt; emitter-appended) ---
"""Pipeline reference for scband-vq-25357486916144 (READ-ONLY COPY).

The authoritative reference and input builder live on the scoring server;
editing this copy changes nothing except your own understanding.
"""

import jax, jax.numpy as jnp
import numpy as np

B = 2048
K = 1024  # n_embed_vecs
D = 64    # n_latent_dim


def setup_inputs(seed: int = 0) -> dict:
    key = jax.random.key(seed)
    k1, k2 = jax.random.split(key)
    ze = jax.random.normal(k1, (B, K), dtype=jnp.float32)
    # 'emb' buffer of the module, shape (k, d) = (n_embed_vecs, n_latent_dim)
    emb = jax.random.normal(k2, (K, D), dtype=jnp.float32)
    return {"ze": ze, "emb": emb}


def reference(ze, emb):
    # sg_emb = StopGrad(emb)
    sg_emb = jax.lax.stop_gradient(emb)
    # l2n_sq = ((ze.unsqueeze(2) - sg_emb) ** 2).sum(dim=1)
    # ze: (B, K) -> (B, K, 1); emb: (K, D) -> broadcast (B, K, D); sum over dim 1 -> (B, D)
    diff = ze[:, :, None] - sg_emb
    l2n_sq = jnp.sum(diff * diff, axis=1)
    # l2norm_min, l2norm_min_ind = l2n_sq.min(dim=1)
    l2norm_min_ind = jnp.argmin(l2n_sq, axis=1)  # (B,), values in [0, D)
    # zq = torch.index_select(ze, 0, l2norm_min_ind)
    zq = jnp.take(ze, l2norm_min_ind, axis=0)  # (B, K)
    # zq_rg, _ = ReplaceGrad(zq, ze): forward value is zq; gradient routed to ze
    zq_rg = ze + jax.lax.stop_gradient(zq - ze)
    return zq_rg

if __name__ == "__main__":
    import jax
    _d = setup_inputs()
    print(jax.jit(kernel)(*tuple(_d.values())))

</pallas_src>

<mosaic_0001>
#map = affine_map<(d0, d1) -> (0, 0)>
#map1 = affine_map<(d0, d1) -> (0)>
module attributes {stable_mosaic.version = 14 : i64} {
  func.func @_sc_gather(%arg0: i32, %arg1: i32, %arg2: memref<2048x1024xf32, #tpu.memory_space<hbm>>, %arg3: memref<2048xi32, #tpu.memory_space<hbm>>, %arg4: memref<2048x1024xf32, #tpu.memory_space<hbm>>, %arg5: memref<64xi32, #tpu.memory_space<vmem>>, %arg6: memref<2x16x1024xf32, #tpu.memory_space<vmem>>, %arg7: memref<!tpu.dma_semaphore, #tpu.memory_space<semaphore_mem>>, %arg8: memref<!tpu.dma_semaphore, #tpu.memory_space<semaphore_mem>>, %arg9: memref<!tpu.dma_semaphore, #tpu.memory_space<semaphore_mem>>, %arg10: memref<!tpu.dma_semaphore, #tpu.memory_space<semaphore_mem>>) attributes {dimension_semantics = [#tpu.dimension_semantics<core_parallel>, #tpu.dimension_semantics<subcore_parallel>], iteration_bounds = array<i64: 2, 16>, scalar_prefetch = 0 : i64, scratch_operands = 6 : i64, tpu.core_type = #tpu.core_type<sc_vector_subcore>, window_params = [{transform_indices = #map}, {transform_indices = #map1}, {transform_indices = #map}]} {
    %mul3A = arith.constant 2 : i32
    %mul3A_0 = arith.muli %arg1, %mul3A : i32
    %add3A = arith.addi %mul3A_0, %arg0 : i32
    %mul3A_1 = arith.constant 64 : i32
    %mul3A_2 = arith.muli %add3A, %mul3A_1 : i32
    "tpu.region"() ({
      %run_scoped3A = tpu.sem_alloc : memref<!tpu.dma_semaphore, #tpu.memory_space<semaphore_mem>>
      %dma_start3A_225 = tpu.memref_slice %arg3[%mul3A_2] : memref<2048xi32, #tpu.memory_space<hbm>> -> memref<64xi32, #tpu.memory_space<hbm>>
      %dma_start3A_226 = tpu.memref_slice %arg3[%mul3A_2] : memref<2048xi32, #tpu.memory_space<hbm>> -> memref<64xi32, #tpu.memory_space<hbm>>
      tpu.enqueue_dma source(%dma_start3A_226 : memref<64xi32, #tpu.memory_space<hbm>>) target(%arg5 : memref<64xi32, #tpu.memory_space<vmem>>) target_semaphore(%run_scoped3A : memref<!tpu.dma_semaphore, #tpu.memory_space<semaphore_mem>>)
      %dma_wait3A_227 = tpu.memref_slice %arg3[%mul3A_2] : memref<2048xi32, #tpu.memory_space<hbm>> -> memref<64xi32, #tpu.memory_space<hbm>>
      %dma_wait3A_228 = tpu.memref_slice %arg3[%mul3A_2] : memref<2048xi32, #tpu.memory_space<hbm>> -> memref<64xi32, #tpu.memory_space<hbm>>
      tpu.wait_dma2 semaphore(%run_scoped3A : memref<!tpu.dma_semaphore, #tpu.memory_space<semaphore_mem>>) src(%dma_wait3A_228 : memref<64xi32, #tpu.memory_space<hbm>>) dst(%arg5 : memref<64xi32, #tpu.memory_space<vmem>>)
      tpu.yield
    }) : () -> ()
    %add3A_3 = arith.constant 0 : i32
    %add3A_4 = arith.addi %mul3A_2, %add3A_3 : i32
    %dma_start3A = arith.constant 0 : i32
    %dma_start3A_5 = arith.constant 0 : i32
    %dma_start3A_6 = arith.constant 0 : i32
    %dma_start3A_7 = tpu.memref_slice %arg6[%dma_start3A, %dma_start3A_5, %dma_start3A_6] : memref<2x16x1024xf32, #tpu.memory_space<vmem>> -> memref<1x16x1024xf32, #tpu.memory_space<vmem>>
    %dma_start3A_8 = tpu.memref_squeeze %dma_start3A_7 : memref<1x16x1024xf32, #tpu.memory_space<vmem>> -> memref<16x1024xf32, #tpu.memory_space<vmem>>
    %dma_start3A_9 = arith.constant 0 : i32
    %dma_start3A_10 = tpu.memref_slice %arg2[%add3A_4, %dma_start3A_9] : memref<2048x1024xf32, #tpu.memory_space<hbm>> -> memref<16x1024xf32, #tpu.memory_space<hbm>>
    %dma_start3A_11 = arith.constant 0 : i32
    %dma_start3A_12 = arith.constant 0 : i32
    %dma_start3A_13 = tpu.memref_slice %arg6[%dma_start3A, %dma_start3A_11, %dma_start3A_12] : memref<2x16x1024xf32, #tpu.memory_space<vmem>> -> memref<1x16x1024xf32, #tpu.memory_space<vmem>>
    %dma_start3A_14 = tpu.memref_squeeze %dma_start3A_13 : memref<1x16x1024xf32, #tpu.memory_space<vmem>> -> memref<16x1024xf32, #tpu.memory_space<vmem>>
    %dma_start3A_15 = arith.constant 0 : i32
    %dma_start3A_16 = tpu.memref_slice %arg2[%add3A_4, %dma_start3A_15] : memref<2048x1024xf32, #tpu.memory_space<hbm>> -> memref<16x1024xf32, #tpu.memory_space<hbm>>
    tpu.enqueue_dma source(%dma_start3A_16 : memref<16x1024xf32, #tpu.memory_space<hbm>>) target(%dma_start3A_14 : memref<16x1024xf32, #tpu.memory_space<vmem>>) target_semaphore(%arg7 : memref<!tpu.dma_semaphore, #tpu.memory_space<semaphore_mem>>)
    %dma_wait3A = arith.constant 0 : i32
    %dma_wait3A_17 = arith.constant 0 : i32
    %dma_wait3A_18 = arith.constant 0 : i32
    %dma_wait3A_19 = tpu.memref_slice %arg6[%dma_wait3A, %dma_wait3A_17, %dma_wait3A_18] : memref<2x16x1024xf32, #tpu.memory_space<vmem>> -> memref<1x16x1024xf32, #tpu.memory_space<vmem>>
    %dma_wait3A_20 = tpu.memref_squeeze %dma_wait3A_19 : memref<1x16x1024xf32, #tpu.memory_space<vmem>> -> memref<16x1024xf32, #tpu.memory_space<vmem>>
    %dma_wait3A_21 = arith.constant 0 : i32
    %dma_wait3A_22 = tpu.memref_slice %arg2[%add3A_4, %dma_wait3A_21] : memref<2048x1024xf32, #tpu.memory_space<hbm>> -> memref<16x1024xf32, #tpu.memory_space<hbm>>
    %dma_wait3A_23 = arith.constant 0 : i32
    %dma_wait3A_24 = arith.constant 0 : i32
    %dma_wait3A_25 = tpu.memref_slice %arg6[%dma_wait3A, %dma_wait3A_23, %dma_wait3A_24] : memref<2x16x1024xf32, #tpu.memory_space<vmem>> -> memref<1x16x1024xf32, #tpu.memory_space<vmem>>
    %dma_wait3A_26 = tpu.memref_squeeze %dma_wait3A_25 : memref<1x16x1024xf32, #tpu.memory_space<vmem>> -> memref<16x1024xf32, #tpu.memory_space<vmem>>
    %dma_wait3A_27 = arith.constant 0 : i32
    %dma_wait3A_28 = tpu.memref_slice %arg2[%add3A_4, %dma_wait3A_27] : memref<2048x1024xf32, #tpu.memory_space<hbm>> -> memref<16x1024xf32, #tpu.memory_space<hbm>>
    tpu.wait_dma2 semaphore(%arg7 : memref<!tpu.dma_semaphore, #tpu.memory_space<semaphore_mem>>) src(%dma_wait3A_28 : memref<16x1024xf32, #tpu.memory_space<hbm>>) dst(%dma_wait3A_26 : memref<16x1024xf32, #tpu.memory_space<vmem>>)
    %add3A_29 = arith.constant 0 : i32
    %add3A_30 = arith.addi %mul3A_2, %add3A_29 : i32
    %dma_start3A_31 = arith.constant 0 : i32
    %dma_start3A_32 = arith.constant 0 : i32
    %dma_start3A_33 = arith.constant 0 : i32
    %dma_start3A_34 = tpu.memref_slice %arg6[%dma_start3A_31, %dma_start3A_32, %dma_start3A_33] : memref<2x16x1024xf32, #tpu.memory_space<vmem>> -> memref<1x16x1024xf32, #tpu.memory_space<vmem>>
    %dma_start3A_35 = tpu.memref_squeeze %dma_start3A_34 : memref<1x16x1024xf32, #tpu.memory_space<vmem>> -> memref<16x1024xf32, #tpu.memory_space<vmem>>
    %dma_start3A_36 = arith.constant 0 : i32
    %dma_start3A_37 = tpu.memref_slice %arg4[%add3A_30, %dma_start3A_36] : memref<2048x1024xf32, #tpu.memory_space<hbm>> -> memref<16x1024xf32, #tpu.memory_space<hbm>>
    %dma_start3A_38 = arith.constant 0 : i32
    %dma_start3A_39 = tpu.memref_slice %arg4[%add3A_30, %dma_start3A_38] : memref<2048x1024xf32, #tpu.memory_space<hbm>> -> memref<16x1024xf32, #tpu.memory_space<hbm>>
    %dma_start3A_40 = arith.constant 0 : i32
    %dma_start3A_41 = arith.constant 0 : i32
    %dma_start3A_42 = tpu.memref_slice %arg6[%dma_start3A_31, %dma_start3A_40, %dma_start3A_41] : memref<2x16x1024xf32, #tpu.memory_space<vmem>> -> memref<1x16x1024xf32, #tpu.memory_space<vmem>>
    %dma_start3A_43 = tpu.memref_squeeze %dma_start3A_42 : memref<1x16x1024xf32, #tpu.memory_space<vmem>> -> memref<16x1024xf32, #tpu.memory_space<vmem>>
    tpu.enqueue_dma source(%dma_start3A_43 : memref<16x1024xf32, #tpu.memory_space<vmem>>) target(%dma_start3A_39 : memref<16x1024xf32, #tpu.memory_space<hbm>>) target_semaphore(%arg9 : memref<!tpu.dma_semaphore, #tpu.memory_space<semaphore_mem>>)
    %add3A_44 = arith.constant 16 : i32
    %add3A_45 = arith.addi %mul3A_2, %add3A_44 : i32
    %dma_start3A_46 = arith.constant 1 : i32
    %dma_start3A_47 = arith.constant 0 : i32
    %dma_start3A_48 = arith.constant 0 : i32
    %dma_start3A_49 = tpu.memref_slice %arg6[%dma_start3A_46, %dma_start3A_47, %dma_start3A_48] : memref<2x16x1024xf32, #tpu.memory_space<vmem>> -> memref<1x16x1024xf32, #tpu.memory_space<vmem>>
    %dma_start3A_50 = tpu.memref_squeeze %dma_start3A_49 : memref<1x16x1024xf32, #tpu.memory_space<vmem>> -> memref<16x1024xf32, #tpu.memory_space<vmem>>
    %dma_start3A_51 = arith.constant 0 : i32
    %dma_start3A_52 = tpu.memref_slice %arg2[%add3A_45, %dma_start3A_51] : memref<2048x1024xf32, #tpu.memory_space<hbm>> -> memref<16x1024xf32, #tpu.memory_space<hbm>>
    %dma_start3A_53 = arith.constant 0 : i32
    %dma_start3A_54 = arith.constant 0 : i32
    %dma_start3A_55 = tpu.memref_slice %arg6[%dma_start3A_46, %dma_start3A_53, %dma_start3A_54] : memref<2x16x1024xf32, #tpu.memory_space<vmem>> -> memref<1x16x1024xf32, #tpu.memory_space<vmem>>
    %dma_start3A_56 = tpu.memref_squeeze %dma_start3A_55 : memref<1x16x1024xf32, #tpu.memory_space<vmem>> -> memref<16x1024xf32, #tpu.memory_space<vmem>>
    %dma_start3A_57 = arith.constant 0 : i32
    %dma_start3A_58 = tpu.memref_slice %arg2[%add3A_45, %dma_start3A_57] : memref<2048x1024xf32, #tpu.memory_space<hbm>> -> memref<16x1024xf32, #tpu.memory_space<hbm>>
    tpu.enqueue_dma source(%dma_start3A_58 : memref<16x1024xf32, #tpu.memory_space<hbm>>) target(%dma_start3A_56 : memref<16x1024xf32, #tpu.memory_space<vmem>>) target_semaphore(%arg8 : memref<!tpu.dma_semaphore, #tpu.memory_space<semaphore_mem>>)
    %dma_wait3A_59 = arith.constant 1 : i32
    %dma_wait3A_60 = arith.constant 0 : i32
    %dma_wait3A_61 = arith.constant 0 : i32
    %dma_wait3A_62 = tpu.memref_slice %arg6[%dma_wait3A_59, %dma_wait3A_60, %dma_wait3A_61] : memref<2x16x1024xf32, #tpu.memory_space<vmem>> -> memref<1x16x1024xf32, #tpu.memory_space<vmem>>
    %dma_wait3A_63 = tpu.memref_squeeze %dma_wait3A_62 : memref<1x16x1024xf32, #tpu.memory_space<vmem>> -> memref<16x1024xf32, #tpu.memory_space<vmem>>
    %dma_wait3A_64 = arith.constant 0 : i32
    %dma_wait3A_65 = tpu.memref_slice %arg2[%add3A_45, %dma_wait3A_64] : memref<2048x1024xf32, #tpu.memory_space<hbm>> -> memref<16x1024xf32, #tpu.memory_space<hbm>>
    %dma_wait3A_66 = arith.constant 0 : i32
    %dma_wait3A_67 = arith.constant 0 : i32
    %dma_wait3A_68 = tpu.memref_slice %arg6[%dma_wait3A_59, %dma_wait3A_66, %dma_wait3A_67] : memref<2x16x1024xf32, #tpu.memory_space<vmem>> -> memref<1x16x1024xf32, #tpu.memory_space<vmem>>
    %dma_wait3A_69 = tpu.memref_squeeze %dma_wait3A_68 : memref<1x16x1024xf32, #tpu.memory_space<vmem>> -> memref<16x1024xf32, #tpu.memory_space<vmem>>
    %dma_wait3A_70 = arith.constant 0 : i32
    %dma_wait3A_71 = tpu.memref_slice %arg2[%add3A_45, %dma_wait3A_70] : memref<2048x1024xf32, #tpu.memory_space<hbm>> -> memref<16x1024xf32, #tpu.memory_space<hbm>>
    tpu.wait_dma2 semaphore(%arg8 : memref<!tpu.dma_semaphore, #tpu.memory_space<semaphore_mem>>) src(%dma_wait3A_71 : memref<16x1024xf32, #tpu.memory_space<hbm>>) dst(%dma_wait3A_69 : memref<16x1024xf32, #tpu.memory_space<vmem>>)
    %add3A_72 = arith.constant 16 : i32
    %add3A_73 = arith.addi %mul3A_2, %add3A_72 : i32
    %dma_start3A_74 = arith.constant 1 : i32
    %dma_start3A_75 = arith.constant 0 : i32
    %dma_start3A_76 = arith.constant 0 : i32
    %dma_start3A_77 = tpu.memref_slice %arg6[%dma_start3A_74, %dma_start3A_75, %dma_start3A_76] : memref<2x16x1024xf32, #tpu.memory_space<vmem>> -> memref<1x16x1024xf32, #tpu.memory_space<vmem>>
    %dma_start3A_78 = tpu.memref_squeeze %dma_start3A_77 : memref<1x16x1024xf32, #tpu.memory_space<vmem>> -> memref<16x1024xf32, #tpu.memory_space<vmem>>
    %dma_start3A_79 = arith.constant 0 : i32
    %dma_start3A_80 = tpu.memref_slice %arg4[%add3A_73, %dma_start3A_79] : memref<2048x1024xf32, #tpu.memory_space<hbm>> -> memref<16x1024xf32, #tpu.memory_space<hbm>>
    %dma_start3A_81 = arith.constant 0 : i32
    %dma_start3A_82 = tpu.memref_slice %arg4[%add3A_73, %dma_start3A_81] : memref<2048x1024xf32, #tpu.memory_space<hbm>> -> memref<16x1024xf32, #tpu.memory_space<hbm>>
    %dma_start3A_83 = arith.constant 0 : i32
    %dma_start3A_84 = arith.constant 0 : i32
    %dma_start3A_85 = tpu.memref_slice %arg6[%dma_start3A_74, %dma_start3A_83, %dma_start3A_84] : memref<2x16x1024xf32, #tpu.memory_space<vmem>> -> memref<1x16x1024xf32, #tpu.memory_space<vmem>>
    %dma_start3A_86 = tpu.memref_squeeze %dma_start3A_85 : memref<1x16x1024xf32, #tpu.memory_space<vmem>> -> memref<16x1024xf32, #tpu.memory_space<vmem>>
    tpu.enqueue_dma source(%dma_start3A_86 : memref<16x1024xf32, #tpu.memory_space<vmem>>) target(%dma_start3A_82 : memref<16x1024xf32, #tpu.memory_space<hbm>>) target_semaphore(%arg10 : memref<!tpu.dma_semaphore, #tpu.memory_space<semaphore_mem>>)
    %dma_wait3A_87 = arith.constant 0 : i32
    %dma_wait3A_88 = arith.constant 0 : i32
    %dma_wait3A_89 = arith.constant 0 : i32
    %dma_wait3A_90 = tpu.memref_slice %arg6[%dma_wait3A_87, %dma_wait3A_88, %dma_wait3A_89] : memref<2x16x1024xf32, #tpu.memory_space<vmem>> -> memref<1x16x1024xf32, #tpu.memory_space<vmem>>
    %dma_wait3A_91 = tpu.memref_squeeze %dma_wait3A_90 : memref<1x16x1024xf32, #tpu.memory_space<vmem>> -> memref<16x1024xf32, #tpu.memory_space<vmem>>
    %dma_wait3A_92 = arith.constant 0 : i32
    %dma_wait3A_93 = tpu.memref_slice %arg4[%add3A_30, %dma_wait3A_92] : memref<2048x1024xf32, #tpu.memory_space<hbm>> -> memref<16x1024xf32, #tpu.memory_space<hbm>>
    %dma_wait3A_94 = arith.constant 0 : i32
    %dma_wait3A_95 = tpu.memref_slice %arg4[%add3A_30, %dma_wait3A_94] : memref<2048x1024xf32, #tpu.memory_space<hbm>> -> memref<16x1024xf32, #tpu.memory_space<hbm>>
    %dma_wait3A_96 = arith.constant 0 : i32
    %dma_wait3A_97 = arith.constant 0 : i32
    %dma_wait3A_98 = tpu.memref_slice %arg6[%dma_wait3A_87, %dma_wait3A_96, %dma_wait3A_97] : memref<2x16x1024xf32, #tpu.memory_space<vmem>> -> memref<1x16x1024xf32, #tpu.memory_space<vmem>>
    %dma_wait3A_99 = tpu.memref_squeeze %dma_wait3A_98 : memref<1x16x1024xf32, #tpu.memory_space<vmem>> -> memref<16x1024xf32, #tpu.memory_space<vmem>>
    tpu.wait_dma2 semaphore(%arg9 : memref<!tpu.dma_semaphore, #tpu.memory_space<semaphore_mem>>) src(%dma_wait3A_99 : memref<16x1024xf32, #tpu.memory_space<vmem>>) dst(%dma_wait3A_95 : memref<16x1024xf32, #tpu.memory_space<hbm>>)
    %add3A_100 = arith.constant 32 : i32
    %add3A_101 = arith.addi %mul3A_2, %add3A_100 : i32
    %dma_start3A_102 = arith.constant 0 : i32
    %dma_start3A_103 = arith.constant 0 : i32
    %dma_start3A_104 = arith.constant 0 : i32
    %dma_start3A_105 = tpu.memref_slice %arg6[%dma_start3A_102, %dma_start3A_103, %dma_start3A_104] : memref<2x16x1024xf32, #tpu.memory_space<vmem>> -> memref<1x16x1024xf32, #tpu.memory_space<vmem>>
    %dma_start3A_106 = tpu.memref_squeeze %dma_start3A_105 : memref<1x16x1024xf32, #tpu.memory_space<vmem>> -> memref<16x1024xf32, #tpu.memory_space<vmem>>
    %dma_start3A_107 = arith.constant 0 : i32
    %dma_start3A_108 = tpu.memref_slice %arg2[%add3A_101, %dma_start3A_107] : memref<2048x1024xf32, #tpu.memory_space<hbm>> -> memref<16x1024xf32, #tpu.memory_space<hbm>>
    %dma_start3A_109 = arith.constant 0 : i32
    %dma_start3A_110 = arith.constant 0 : i32
    %dma_start3A_111 = tpu.memref_slice %arg6[%dma_start3A_102, %dma_start3A_109, %dma_start3A_110] : memref<2x16x1024xf32, #tpu.memory_space<vmem>> -> memref<1x16x1024xf32, #tpu.memory_space<vmem>>
    %dma_start3A_112 = tpu.memref_squeeze %dma_start3A_111 : memref<1x16x1024xf32, #tpu.memory_space<vmem>> -> memref<16x1024xf32, #tpu.memory_space<vmem>>
    %dma_start3A_113 = arith.constant 0 : i32
    %dma_start3A_114 = tpu.memref_slice %arg2[%add3A_101, %dma_start3A_113] : memref<2048x1024xf32, #tpu.memory_space<hbm>> -> memref<16x1024xf32, #tpu.memory_space<hbm>>
    tpu.enqueue_dma source(%dma_start3A_114 : memref<16x1024xf32, #tpu.memory_space<hbm>>) target(%dma_start3A_112 : memref<16x1024xf32, #tpu.memory_space<vmem>>) target_semaphore(%arg7 : memref<!tpu.dma_semaphore, #tpu.memory_space<semaphore_mem>>)
    %dma_wait3A_115 = arith.constant 0 : i32
    %dma_wait3A_116 = arith.constant 0 : i32
    %dma_wait3A_117 = arith.constant 0 : i32
    %dma_wait3A_118 = tpu.memref_slice %arg6[%dma_wait3A_115, %dma_wait3A_116, %dma_wait3A_117] : memref<2x16x1024xf32, #tpu.memory_space<vmem>> -> memref<1x16x1024xf32, #tpu.memory_space<vmem>>
    %dma_wait3A_119 = tpu.memref_squeeze %dma_wait3A_118 : memref<1x16x1024xf32, #tpu.memory_space<vmem>> -> memref<16x1024xf32, #tpu.memory_space<vmem>>
    %dma_wait3A_120 = arith.constant 0 : i32
    %dma_wait3A_121 = tpu.memref_slice %arg2[%add3A_101, %dma_wait3A_120] : memref<2048x1024xf32, #tpu.memory_space<hbm>> -> memref<16x1024xf32, #tpu.memory_space<hbm>>
    %dma_wait3A_122 = arith.constant 0 : i32
    %dma_wait3A_123 = arith.constant 0 : i32
    %dma_wait3A_124 = tpu.memref_slice %arg6[%dma_wait3A_115, %dma_wait3A_122, %dma_wait3A_123] : memref<2x16x1024xf32, #tpu.memory_space<vmem>> -> memref<1x16x1024xf32, #tpu.memory_space<vmem>>
    %dma_wait3A_125 = tpu.memref_squeeze %dma_wait3A_124 : memref<1x16x1024xf32, #tpu.memory_space<vmem>> -> memref<16x1024xf32, #tpu.memory_space<vmem>>
    %dma_wait3A_126 = arith.constant 0 : i32
    %dma_wait3A_127 = tpu.memref_slice %arg2[%add3A_101, %dma_wait3A_126] : memref<2048x1024xf32, #tpu.memory_space<hbm>> -> memref<16x1024xf32, #tpu.memory_space<hbm>>
    tpu.wait_dma2 semaphore(%arg7 : memref<!tpu.dma_semaphore, #tpu.memory_space<semaphore_mem>>) src(%dma_wait3A_127 : memref<16x1024xf32, #tpu.memory_space<hbm>>) dst(%dma_wait3A_125 : memref<16x1024xf32, #tpu.memory_space<vmem>>)
    %add3A_128 = arith.constant 32 : i32
    %add3A_129 = arith.addi %mul3A_2, %add3A_128 : i32
    %dma_start3A_130 = arith.constant 0 : i32
    %dma_start3A_131 = arith.constant 0 : i32
    %dma_start3A_132 = arith.constant 0 : i32
    %dma_start3A_133 = tpu.memref_slice %arg6[%dma_start3A_130, %dma_start3A_131, %dma_start3A_132] : memref<2x16x1024xf32, #tpu.memory_space<vmem>> -> memref<1x16x1024xf32, #tpu.memory_space<vmem>>
    %dma_start3A_134 = tpu.memref_squeeze %dma_start3A_133 : memref<1x16x1024xf32, #tpu.memory_space<vmem>> -> memref<16x1024xf32, #tpu.memory_space<vmem>>
    %dma_start3A_135 = arith.constant 0 : i32
    %dma_start3A_136 = tpu.memref_slice %arg4[%add3A_129, %dma_start3A_135] : memref<2048x1024xf32, #tpu.memory_space<hbm>> -> memref<16x1024xf32, #tpu.memory_space<hbm>>
    %dma_start3A_137 = arith.constant 0 : i32
    %dma_start3A_138 = tpu.memref_slice %arg4[%add3A_129, %dma_start3A_137] : memref<2048x1024xf32, #tpu.memory_space<hbm>> -> memref<16x1024xf32, #tpu.memory_space<hbm>>
    %dma_start3A_139 = arith.constant 0 : i32
    %dma_start3A_140 = arith.constant 0 : i32
    %dma_start3A_141 = tpu.memref_slice %arg6[%dma_start3A_130, %dma_start3A_139, %dma_start3A_140] : memref<2x16x1024xf32, #tpu.memory_space<vmem>> -> memref<1x16x1024xf32, #tpu.memory_space<vmem>>
    %dma_start3A_142 = tpu.memref_squeeze %dma_start3A_141 : memref<1x16x1024xf32, #tpu.memory_space<vmem>> -> memref<16x1024xf32, #tpu.memory_space<vmem>>
    tpu.enqueue_dma source(%dma_start3A_142 : memref<16x1024xf32, #tpu.memory_space<vmem>>) target(%dma_start3A_138 : memref<16x1024xf32, #tpu.memory_space<hbm>>) target_semaphore(%arg9 : memref<!tpu.dma_semaphore, #tpu.memory_space<semaphore_mem>>)
    %dma_wait3A_143 = arith.constant 1 : i32
    %dma_wait3A_144 = arith.constant 0 : i32
    %dma_wait3A_145 = arith.constant 0 : i32
    %dma_wait3A_146 = tpu.memref_slice %arg6[%dma_wait3A_143, %dma_wait3A_144, %dma_wait3A_145] : memref<2x16x1024xf32, #tpu.memory_space<vmem>> -> memref<1x16x1024xf32, #tpu.memory_space<vmem>>
    %dma_wait3A_147 = tpu.memref_squeeze %dma_wait3A_146 : memref<1x16x1024xf32, #tpu.memory_space<vmem>> -> memref<16x1024xf32, #tpu.memory_space<vmem>>
    %dma_wait3A_148 = arith.constant 0 : i32
    %dma_wait3A_149 = tpu.memref_slice %arg4[%add3A_73, %dma_wait3A_148] : memref<2048x1024xf32, #tpu.memory_space<hbm>> -> memref<16x1024xf32, #tpu.memory_space<hbm>>
    %dma_wait3A_150 = arith.constant 0 : i32
    %dma_wait3A_151 = tpu.memref_slice %arg4[%add3A_73, %dma_wait3A_150] : memref<2048x1024xf32, #tpu.memory_space<hbm>> -> memref<16x1024xf32, #tpu.memory_space<hbm>>
    %dma_wait3A_152 = arith.constant 0 : i32
    %dma_wait3A_153 = arith.constant 0 : i32
    %dma_wait3A_154 = tpu.memref_slice %arg6[%dma_wait3A_143, %dma_wait3A_152, %dma_wait3A_153] : memref<2x16x1024xf32, #tpu.memory_space<vmem>> -> memref<1x16x1024xf32, #tpu.memory_space<vmem>>
    %dma_wait3A_155 = tpu.memref_squeeze %dma_wait3A_154 : memref<1x16x1024xf32, #tpu.memory_space<vmem>> -> memref<16x1024xf32, #tpu.memory_space<vmem>>
    tpu.wait_dma2 semaphore(%arg10 : memref<!tpu.dma_semaphore, #tpu.memory_space<semaphore_mem>>) src(%dma_wait3A_155 : memref<16x1024xf32, #tpu.memory_space<vmem>>) dst(%dma_wait3A_151 : memref<16x1024xf32, #tpu.memory_space<hbm>>)
    %add3A_156 = arith.constant 48 : i32
    %add3A_157 = arith.addi %mul3A_2, %add3A_156 : i32
    %dma_start3A_158 = arith.constant 1 : i32
    %dma_start3A_159 = arith.constant 0 : i32
    %dma_start3A_160 = arith.constant 0 : i32
    %dma_start3A_161 = tpu.memref_slice %arg6[%dma_start3A_158, %dma_start3A_159, %dma_start3A_160] : memref<2x16x1024xf32, #tpu.memory_space<vmem>> -> memref<1x16x1024xf32, #tpu.memory_space<vmem>>
    %dma_start3A_162 = tpu.memref_squeeze %dma_start3A_161 : memref<1x16x1024xf32, #tpu.memory_space<vmem>> -> memref<16x1024xf32, #tpu.memory_space<vmem>>
    %dma_start3A_163 = arith.constant 0 : i32
    %dma_start3A_164 = tpu.memref_slice %arg2[%add3A_157, %dma_start3A_163] : memref<2048x1024xf32, #tpu.memory_space<hbm>> -> memref<16x1024xf32, #tpu.memory_space<hbm>>
    %dma_start3A_165 = arith.constant 0 : i32
    %dma_start3A_166 = arith.constant 0 : i32
    %dma_start3A_167 = tpu.memref_slice %arg6[%dma_start3A_158, %dma_start3A_165, %dma_start3A_166] : memref<2x16x1024xf32, #tpu.memory_space<vmem>> -> memref<1x16x1024xf32, #tpu.memory_space<vmem>>
    %dma_start3A_168 = tpu.memref_squeeze %dma_start3A_167 : memref<1x16x1024xf32, #tpu.memory_space<vmem>> -> memref<16x1024xf32, #tpu.memory_space<vmem>>
    %dma_start3A_169 = arith.constant 0 : i32
    %dma_start3A_170 = tpu.memref_slice %arg2[%add3A_157, %dma_start3A_169] : memref<2048x1024xf32, #tpu.memory_space<hbm>> -> memref<16x1024xf32, #tpu.memory_space<hbm>>
    tpu.enqueue_dma source(%dma_start3A_170 : memref<16x1024xf32, #tpu.memory_space<hbm>>) target(%dma_start3A_168 : memref<16x1024xf32, #tpu.memory_space<vmem>>) target_semaphore(%arg8 : memref<!tpu.dma_semaphore, #tpu.memory_space<semaphore_mem>>)
    %dma_wait3A_171 = arith.constant 1 : i32
    %dma_wait3A_172 = arith.constant 0 : i32
    %dma_wait3A_173 = arith.constant 0 : i32
    %dma_wait3A_174 = tpu.memref_slice %arg6[%dma_wait3A_171, %dma_wait3A_172, %dma_wait3A_173] : memref<2x16x1024xf32, #tpu.memory_space<vmem>> -> memref<1x16x1024xf32, #tpu.memory_space<vmem>>
    %dma_wait3A_175 = tpu.memref_squeeze %dma_wait3A_174 : memref<1x16x1024xf32, #tpu.memory_space<vmem>> -> memref<16x1024xf32, #tpu.memory_space<vmem>>
    %dma_wait3A_176 = arith.constant 0 : i32
    %dma_wait3A_177 = tpu.memref_slice %arg2[%add3A_157, %dma_wait3A_176] : memref<2048x1024xf32, #tpu.memory_space<hbm>> -> memref<16x1024xf32, #tpu.memory_space<hbm>>
    %dma_wait3A_178 = arith.constant 0 : i32
    %dma_wait3A_179 = arith.constant 0 : i32
    %dma_wait3A_180 = tpu.memref_slice %arg6[%dma_wait3A_171, %dma_wait3A_178, %dma_wait3A_179] : memref<2x16x1024xf32, #tpu.memory_space<vmem>> -> memref<1x16x1024xf32, #tpu.memory_space<vmem>>
    %dma_wait3A_181 = tpu.memref_squeeze %dma_wait3A_180 : memref<1x16x1024xf32, #tpu.memory_space<vmem>> -> memref<16x1024xf32, #tpu.memory_space<vmem>>
    %dma_wait3A_182 = arith.constant 0 : i32
    %dma_wait3A_183 = tpu.memref_slice %arg2[%add3A_157, %dma_wait3A_182] : memref<2048x1024xf32, #tpu.memory_space<hbm>> -> memref<16x1024xf32, #tpu.memory_space<hbm>>
    tpu.wait_dma2 semaphore(%arg8 : memref<!tpu.dma_semaphore, #tpu.memory_space<semaphore_mem>>) src(%dma_wait3A_183 : memref<16x1024xf32, #tpu.memory_space<hbm>>) dst(%dma_wait3A_181 : memref<16x1024xf32, #tpu.memory_space<vmem>>)
    %add3A_184 = arith.constant 48 : i32
    %add3A_185 = arith.addi %mul3A_2, %add3A_184 : i32
    %dma_start3A_186 = arith.constant 1 : i32
    %dma_start3A_187 = arith.constant 0 : i32
    %dma_start3A_188 = arith.constant 0 : i32
    %dma_start3A_189 = tpu.memref_slice %arg6[%dma_start3A_186, %dma_start3A_187, %dma_start3A_188] : memref<2x16x1024xf32, #tpu.memory_space<vmem>> -> memref<1x16x1024xf32, #tpu.memory_space<vmem>>
    %dma_start3A_190 = tpu.memref_squeeze %dma_start3A_189 : memref<1x16x1024xf32, #tpu.memory_space<vmem>> -> memref<16x1024xf32, #tpu.memory_space<vmem>>
    %dma_start3A_191 = arith.constant 0 : i32
    %dma_start3A_192 = tpu.memref_slice %arg4[%add3A_185, %dma_start3A_191] : memref<2048x1024xf32, #tpu.memory_space<hbm>> -> memref<16x1024xf32, #tpu.memory_space<hbm>>
    %dma_start3A_193 = arith.constant 0 : i32
    %dma_start3A_194 = tpu.memref_slice %arg4[%add3A_185, %dma_start3A_193] : memref<2048x1024xf32, #tpu.memory_space<hbm>> -> memref<16x1024xf32, #tpu.memory_space<hbm>>
    %dma_start3A_195 = arith.constant 0 : i32
    %dma_start3A_196 = arith.constant 0 : i32
    %dma_start3A_197 = tpu.memref_slice %arg6[%dma_start3A_186, %dma_start3A_195, %dma_start3A_196] : memref<2x16x1024xf32, #tpu.memory_space<vmem>> -> memref<1x16x1024xf32, #tpu.memory_space<vmem>>
    %dma_start3A_198 = tpu.memref_squeeze %dma_start3A_197 : memref<1x16x1024xf32, #tpu.memory_space<vmem>> -> memref<16x1024xf32, #tpu.memory_space<vmem>>
    tpu.enqueue_dma source(%dma_start3A_198 : memref<16x1024xf32, #tpu.memory_space<vmem>>) target(%dma_start3A_194 : memref<16x1024xf32, #tpu.memory_space<hbm>>) target_semaphore(%arg10 : memref<!tpu.dma_semaphore, #tpu.memory_space<semaphore_mem>>)
    %dma_wait3A_199 = arith.constant 0 : i32
    %dma_wait3A_200 = arith.constant 0 : i32
    %dma_wait3A_201 = arith.constant 0 : i32
    %dma_wait3A_202 = tpu.memref_slice %arg6[%dma_wait3A_199, %dma_wait3A_200, %dma_wait3A_201] : memref<2x16x1024xf32, #tpu.memory_space<vmem>> -> memref<1x16x1024xf32, #tpu.memory_space<vmem>>
    %dma_wait3A_203 = tpu.memref_squeeze %dma_wait3A_202 : memref<1x16x1024xf32, #tpu.memory_space<vmem>> -> memref<16x1024xf32, #tpu.memory_space<vmem>>
    %dma_wait3A_204 = arith.constant 0 : i32
    %dma_wait3A_205 = tpu.memref_slice %arg4[%add3A_129, %dma_wait3A_204] : memref<2048x1024xf32, #tpu.memory_space<hbm>> -> memref<16x1024xf32, #tpu.memory_space<hbm>>
    %dma_wait3A_206 = arith.constant 0 : i32
    %dma_wait3A_207 = tpu.memref_slice %arg4[%add3A_129, %dma_wait3A_206] : memref<2048x1024xf32, #tpu.memory_space<hbm>> -> memref<16x1024xf32, #tpu.memory_space<hbm>>
    %dma_wait3A_208 = arith.constant 0 : i32
    %dma_wait3A_209 = arith.constant 0 : i32
    %dma_wait3A_210 = tpu.memref_slice %arg6[%dma_wait3A_199, %dma_wait3A_208, %dma_wait3A_209] : memref<2x16x1024xf32, #tpu.memory_space<vmem>> -> memref<1x16x1024xf32, #tpu.memory_space<vmem>>
    %dma_wait3A_211 = tpu.memref_squeeze %dma_wait3A_210 : memref<1x16x1024xf32, #tpu.memory_space<vmem>> -> memref<16x1024xf32, #tpu.memory_space<vmem>>
    tpu.wait_dma2 semaphore(%arg9 : memref<!tpu.dma_semaphore, #tpu.memory_space<semaphore_mem>>) src(%dma_wait3A_211 : memref<16x1024xf32, #tpu.memory_space<vmem>>) dst(%dma_wait3A_207 : memref<16x1024xf32, #tpu.memory_space<hbm>>)
    %dma_wait3A_212 = arith.constant 1 : i32
    %dma_wait3A_213 = arith.constant 0 : i32
    %dma_wait3A_214 = arith.constant 0 : i32
    %dma_wait3A_215 = tpu.memref_slice %arg6[%dma_wait3A_212, %dma_wait3A_213, %dma_wait3A_214] : memref<2x16x1024xf32, #tpu.memory_space<vmem>> -> memref<1x16x1024xf32, #tpu.memory_space<vmem>>
    %dma_wait3A_216 = tpu.memref_squeeze %dma_wait3A_215 : memref<1x16x1024xf32, #tpu.memory_space<vmem>> -> memref<16x1024xf32, #tpu.memory_space<vmem>>
    %dma_wait3A_217 = arith.constant 0 : i32
    %dma_wait3A_218 = tpu.memref_slice %arg4[%add3A_185, %dma_wait3A_217] : memref<2048x1024xf32, #tpu.memory_space<hbm>> -> memref<16x1024xf32, #tpu.memory_space<hbm>>
    %dma_wait3A_219 = arith.constant 0 : i32
    %dma_wait3A_220 = tpu.memref_slice %arg4[%add3A_185, %dma_wait3A_219] : memref<2048x1024xf32, #tpu.memory_space<hbm>> -> memref<16x1024xf32, #tpu.memory_space<hbm>>
    %dma_wait3A_221 = arith.constant 0 : i32
    %dma_wait3A_222 = arith.constant 0 : i32
    %dma_wait3A_223 = tpu.memref_slice %arg6[%dma_wait3A_212, %dma_wait3A_221, %dma_wait3A_222] : memref<2x16x1024xf32, #tpu.memory_space<vmem>> -> memref<1x16x1024xf32, #tpu.memory_space<vmem>>
    %dma_wait3A_224 = tpu.memref_squeeze %dma_wait3A_223 : memref<1x16x1024xf32, #tpu.memory_space<vmem>> -> memref<16x1024xf32, #tpu.memory_space<vmem>>
    tpu.wait_dma2 semaphore(%arg10 : memref<!tpu.dma_semaphore, #tpu.memory_space<semaphore_mem>>) src(%dma_wait3A_224 : memref<16x1024xf32, #tpu.memory_space<vmem>>) dst(%dma_wait3A_220 : memref<16x1024xf32, #tpu.memory_space<hbm>>)
    return
  }
}

module attributes {stable_mosaic.version = 14 : i64} {
  func.func @_idx_block(%arg0: i32, %arg1: memref<512x1024xf32, #tpu.memory_space<vmem>>, %arg2: memref<1024x64xf32, #tpu.memory_space<vmem>>, %arg3: memref<512x1xi32, #tpu.memory_space<vmem>>) attributes {dimension_semantics = [#tpu.dimension_semantics<arbitrary>], iteration_bounds = array<i64: 4>, scalar_prefetch = 0 : i64, scratch_operands = 0 : i64, tpu.core_type = #tpu.core_type<tc>, window_params = [{transform_indices = @transform_0, window_bounds = array<i64: 512, 1024>}, {pipeline_mode = #tpu.pipeline_mode<synchronous>, transform_indices = @transform_1, window_bounds = array<i64: 1024, 64>}, {transform_indices = @transform_2, window_bounds = array<i64: 512, 1>}]} {
    %get3A = arith.constant 0 : index
    %get3A_0 = arith.constant 0 : index
    %get3A_1 = vector.load %arg1[%get3A, %get3A_0] : memref<512x1024xf32, #tpu.memory_space<vmem>>, vector<512x1024xf32>
    %get3A_2 = arith.constant 0 : index
    %get3A_3 = arith.constant 0 : index
    %get3A_4 = vector.load %arg2[%get3A_2, %get3A_3] : memref<1024x64xf32, #tpu.memory_space<vmem>>, vector<1024x64xf32>
    %convert_element_type3A = arith.truncf %get3A_1 : vector<512x1024xf32> to vector<512x1024xbf16>
    %convert_element_type3A_5 = arith.extf %convert_element_type3A : vector<512x1024xbf16> to vector<512x1024xf32>
    %sub3A = arith.subf %get3A_1, %convert_element_type3A_5 : vector<512x1024xf32>
    %convert_element_type3A_6 = arith.truncf %sub3A : vector<512x1024xf32> to vector<512x1024xbf16>
    %convert_element_type3A_7 = arith.truncf %get3A_4 : vector<1024x64xf32> to vector<1024x64xbf16>
    %convert_element_type3A_8 = arith.extf %convert_element_type3A_7 : vector<1024x64xbf16> to vector<1024x64xf32>
    %sub3A_9 = arith.subf %get3A_4, %convert_element_type3A_8 : vector<1024x64xf32>
    %convert_element_type3A_10 = arith.truncf %sub3A_9 : vector<1024x64xf32> to vector<1024x64xbf16>
    %dot_general3A = arith.constant dense<0.000000e+00> : vector<512x64xf32>
    %dot_general3A_11 = tpu.matmul %convert_element_type3A, %convert_element_type3A_7, %dot_general3A {dimension_numbers = #tpu.dot_dimension_numbers<[1], [0], [0], [1], [0, 0, 1, 1], [], []>, transpose_lhs_hint = false} : vector<512x1024xbf16>, vector<1024x64xbf16>, vector<512x64xf32> -> vector<512x64xf32>
    %dot_general3A_12 = arith.constant dense<0.000000e+00> : vector<512x64xf32>
    %dot_general3A_13 = tpu.matmul %convert_element_type3A, %convert_element_type3A_10, %dot_general3A_12 {dimension_numbers = #tpu.dot_dimension_numbers<[1], [0], [0], [1], [0, 0, 1, 1], [], []>, transpose_lhs_hint = false} : vector<512x1024xbf16>, vector<1024x64xbf16>, vector<512x64xf32> -> vector<512x64xf32>
    %dot_general3A_14 = arith.constant dense<0.000000e+00> : vector<512x64xf32>
    %dot_general3A_15 = tpu.matmul %convert_element_type3A_6, %convert_element_type3A_7, %dot_general3A_14 {dimension_numbers = #tpu.dot_dimension_numbers<[1], [0], [0], [1], [0, 0, 1, 1], [], []>, transpose_lhs_hint = false} : vector<512x1024xbf16>, vector<1024x64xbf16>, vector<512x64xf32> -> vector<512x64xf32>
    %add3A = arith.addf %dot_general3A_13, %dot_general3A_15 : vector<512x64xf32>
    %add3A_16 = arith.addf %dot_general3A_11, %add3A : vector<512x64xf32>
    %mul3A = arith.mulf %get3A_1, %get3A_1 : vector<512x1024xf32>
    %reduce_sum3A = arith.constant dense<0.000000e+00> : vector<512xf32>
    %reduce_sum3A_17 = vector.multi_reduction <add>, %mul3A, %reduce_sum3A [1] : vector<512x1024xf32> to vector<512xf32>
    %broadcast_in_dim3A = vector.shape_cast %reduce_sum3A_17 : vector<512xf32> to vector<512x1xf32>
    %mul3A_18 = arith.mulf %get3A_4, %get3A_4 : vector<1024x64xf32>
    %reduce_sum3A_19 = arith.constant dense<0.000000e+00> : vector<64xf32>
    %reduce_sum3A_20 = vector.multi_reduction <add>, %mul3A_18, %reduce_sum3A_19 [0] : vector<1024x64xf32> to vector<64xf32>
    %broadcast_in_dim3A_21 = vector.shape_cast %reduce_sum3A_20 : vector<64xf32> to vector<1x64xf32>
    %mul3A_22 = arith.constant 2.000000e+00 : f32
    %mul3A_23 = vector.broadcast %mul3A_22 : f32 to vector<512x64xf32>
    %mul3A_24 = arith.mulf %mul3A_23, %add3A_16 : vector<512x64xf32>
    %sub3A_25 = vector.broadcast %broadcast_in_dim3A : vector<512x1xf32> to vector<512x64xf32>
    %sub3A_26 = arith.subf %sub3A_25, %mul3A_24 : vector<512x64xf32>
    %add3A_27 = vector.broadcast %broadcast_in_dim3A_21 : vector<1x64xf32> to vector<512x64xf32>
    %add3A_28 = arith.addf %sub3A_26, %add3A_27 : vector<512x64xf32>
    %reduce_min3A = arith.constant dense<0x7F800000> : vector<512xf32>
    %reduce_min3A_29 = vector.multi_reduction <minimumf>, %add3A_28, %reduce_min3A [1] : vector<512x64xf32> to vector<512xf32>
    %broadcast_in_dim3A_30 = vector.shape_cast %reduce_min3A_29 : vector<512xf32> to vector<512x1xf32>
    %iota3A = tpu.iota {dimensions = array<i32: 1>} : vector<512x64xi32>
    %eq3A = vector.broadcast %broadcast_in_dim3A_30 : vector<512x1xf32> to vector<512x64xf32>
    %eq3A_31 = arith.cmpf oeq, %add3A_28, %eq3A : vector<512x64xf32>
    %jit3A = arith.constant 64 : i32
    %broadcast_in_dim3A_32 = vector.broadcast %jit3A : i32 to vector<512x64xi32>
    %select_n3A = arith.select %eq3A_31, %iota3A, %broadcast_in_dim3A_32 : vector<512x64xi1>, vector<512x64xi32>
    %reduce_min3A_33 = arith.constant dense<2147483647> : vector<512xi32>
    %reduce_min3A_34 = vector.multi_reduction <minsi>, %select_n3A, %reduce_min3A_33 [1] : vector<512x64xi32> to vector<512xi32>
    %broadcast_in_dim3A_35 = vector.shape_cast %reduce_min3A_34 : vector<512xi32> to vector<512x1xi32>
    %swap3A = arith.constant 0 : index
    %swap3A_36 = arith.constant 0 : index
    %swap3A_37 = vector.load %arg3[%swap3A, %swap3A_36] : memref<512x1xi32, #tpu.memory_space<vmem>>, vector<512x1xi32>
    tpu.vector_store %arg3[%swap3A, %swap3A_36], %broadcast_in_dim3A_35 {strides = array<i32>} : memref<512x1xi32, #tpu.memory_space<vmem>>, vector<512x1xi32>,
    return
  }
  func.func @transform_0(%arg0: i32) -> (i32, i32) {
    %c0_i32 = arith.constant 0 : i32
    %c0_i32_0 = arith.constant 0 : i32
    return %arg0, %c0_i32 : i32, i32
  }
  func.func @transform_1(%arg0: i32) -> (i32, i32) {
    %c0_i32 = arith.constant 0 : i32
    %c0_i32_0 = arith.constant 0 : i32
    %c0_i32_1 = arith.constant 0 : i32
    return %c0_i32, %c0_i32_0 : i32, i32
  }
  func.func @transform_2(%arg0: i32) -> (i32, i32) {
    %c0_i32 = arith.constant 0 : i32
    %c0_i32_0 = arith.constant 0 : i32
    return %arg0, %c0_i32 : i32, i32
  }
}

</mosaic_0001>

<sc_bundles>
// kernel: kernel.4.cloned.1.call-start
scs
__scs_entry_jumppad:
0x0: {  	(pc) =	sbr.rel $0x88, $3  }
0x1: {  	(tag) =	ssettag $0x0;
	lr =	simm.s32 $0x1  }
0x2: {  	[smem:$0x3F9F] =	sst lr;
	_ =	strace $0xD0000000  }
0x3: {  	_ = 	snop  }
0x4: {  	_ = 	snop  }
0x5: {  	_ = 	snop  }
0x6: {  	_ = 	snop  }
0x7: {  	_ = 	snop  }
__scs_overlays_trampoline_lowered:
0x8: {  	[smem:$0x3FAE] =	sst s0  }
0x9: {  	[smem:$0x3FAF] =	sst s1  }
0xa: {  	[smem:$0x3FB0] =	sst s2  }
0xb: {  	[smem:$0x3FB1] =	sst s3  }
0xc: {  	[smem:$0x3FB2] =	sst s4  }
0xd: {  	[smem:$0x3FB3] =	sst s5  }
0xe: {  	[smem:$0x3FB4] =	sst s6  }
0xf: {  	[smem:$0x3FB5] =	sst s7  }
0x10: {  	[smem:$0x3FB6] =	sst s8  }
0x11: {  	[smem:$0x3FB7] =	sst s9;
	s0 =	simm.s32 @!p0 $0x0  }
0x12: {  	s1 =	sld [smem:$0x3F9D];
	s0 =	simm.s32 @p0 $0x1  }
0x13: {  	[smem:$0x3FB8] =	sst s0;
	s0 =	simm.s32 @!p1 $0x0  }
0x14: {  	s2 =	sld [smem:$0x3F9C];
	s0 =	simm.s32 @p1 $0x1  }
0x15: {  	[smem:$0x3FB9] =	sst s0;
	s0 =	simm.s32 @!p2 $0x0  }
0x16: {  	s3 =	sld [smem:$0x3FDB];
	s0 =	simm.s32 @p2 $0x1  }
0x17: {  	s4 =	simm.s32 $0x1BF5;
	[smem:$0x3FBB] =	sst s0  }
0x18: {  	s0 =	sld [smem:$0x3F9E];
	_ =	swait.ge [sflag:s4], $0x0  }
0x19: {  	s7 =	sld [smem:$0x3F9F]  }
0x1a: {  	s8 =	sadd.s32 $0xFFFFE003, lr  }
0x1b: {  	s9 =	sadd.s32 $0xFFFFFEF7, lr;
	s5 =	simm.s32 $0xFFFFFFFF;
	p2 =	slt.u32 s8, $0xFFFFF086  }
0x1c: {  	p1 =	slt.u32 s9, $0xF7A;
	s5 =	simm.s32 @!p2 $0x0  }
0x1d: {  	s5 =	simm.s32 @p1 $0x1;
	p0 =	seq.s32 s7, s2  }
0x1e: {  	s7 =	smul.u32 @!p0 $0xF7A, s2;
	p2 =	seq.s32 @!p0 s5, $0x0  }
0x1f: {  	s9 =	smul.u32 $0xF7A, s1;
	s8 =	simm.s32 @!p0 $0x1BF5;
	p2 =	por !p2, p0  }
0x20: {  	[sflag:s8] =	ssyncset.s32 @!p0 $0xFFFFF086;
	s6 =	sadd.s32 @!p0 s3, s7;
	s7 =	simm.s32 @!p0 $0x108  }
0x21: {  	s3 =	sadd.s32 s3, s9;
	s6 =	sadd.s32 @!p0 $0x88, s6;
	s7 =	simm.s32 @p2 $0x1082  }
0x22: {  	[simem:s7], [sflag:s8] =	dma.local @!p0 [hbm:s6], $0xF7A  }
0x23: {  	s9 =	sor.u32 $0xD0000000, s2;
	s6 =	simm.s32 $0x108;
	_ =	swait.ge @!p0 [sflag:s8], $0x0  }
0x24: {  	s3 =	sadd.s32 $0x88, s3;
	s6 =	simm.s32 @!p1 $0x1082;
	[sflag:s4] =	ssyncset.s32 $0xFFFFF086  }
0x25: {  	[simem:s6], [sflag:s4] =	dma.local [hbm:s3], $0xF7A  }
0x26: {  	[smem:$0x3F9F] =	sst s1;
	(tag) =	ssettag s2;
	_ =	strace s9  }
0x27: {  	s1 =	sld [smem:$0x3FAF]  }
0x28: {  	s2 =	sld [smem:$0x3FB0]  }
0x29: {  	s4 =	sld [smem:$0x3FB2]  }
0x2a: {  	p0 =	seq.s32 s5, $0x0;
	s5 =	sld [smem:$0x3FB3]  }
0x2b: {  	s6 =	sld [smem:$0x3FB4]  }
0x2c: {  	s7 =	sld [smem:$0x3FB5]  }
0x2d: {  	s3 =	simm.s32 $0x108;
	s8 =	sld [smem:$0x3FB6]  }
0x2e: {  	s3 =	simm.s32 @!p0 $0x1082;
	s9 =	sld [smem:$0x3FB7]  }
0x2f: {  	lr =	sadd.s32 s0, s3;
	s0 =	sld [smem:$0x3FAE]  }
0x30: {  	s3 =	sld [smem:$0x3FB1]  }
0x31: {  	[smem:$0x3FBA] =	sst s10  }
0x32: {  	s10 =	sld [smem:$0x3FB8];
	_ =	sdelay $0x3  }
0x33: {  	p0 =	seq.s32 s10, $0x1;
	s10 =	sld [smem:$0x3FBA];
	_ =	sdelay $0x3  }
0x34: {  	[smem:$0x3FBA] =	sst s10  }
0x35: {  	s10 =	sld [smem:$0x3FB9];
	_ =	sdelay $0x3  }
0x36: {  	p1 =	seq.s32 s10, $0x1;
	s10 =	sld [smem:$0x3FBA];
	_ =	sdelay $0x3  }
0x37: {  	[smem:$0x3FBA] =	sst s10  }
0x38: {  	s10 =	sld [smem:$0x3FBB]  }
0x39: {  	_ = 	snop;
	(pc) =	sbr.ind lr, $3  }
0x3a: {  	_ = 	snop  }
0x3b: {  	_ = 	snop  }
0x3c: {  	p2 =	seq.s32 s10, $0x1;
	s10 =	sld [smem:$0x3FBA]  }
0x3d: {  	_ =	shalt  }
0x3e: {  	_ =	shalt  }
0x3f: {  	_ =	shalt  }
0x40: {  	_ =	shalt  }
0x41: {  	_ =	shalt  }
0x42: {  	_ =	shalt  }
0x43: {  	_ =	shalt  }
0x44: {  	_ =	shalt  }
0x45: {  	_ =	shalt  }
0x46: {  	_ =	shalt  }
0x47: {  	_ =	shalt  }
0x48: {  	_ =	shalt  }
0x49: {  	_ =	shalt  }
0x4a: {  	_ =	shalt  }
0x4b: {  	_ =	shalt  }
0x4c: {  	_ =	shalt  }
0x4d: {  	_ =	shalt  }
0x4e: {  	_ =	shalt  }
0x4f: {  	_ =	shalt  }
0x50: {  	_ =	shalt  }
0x51: {  	_ =	shalt  }
0x52: {  	_ =	shalt  }
0x53: {  	_ =	shalt  }
0x54: {  	_ =	shalt  }
0x55: {  	_ =	shalt  }
0x56: {  	_ =	shalt  }
0x57: {  	_ =	shalt  }
0x58: {  	_ =	shalt  }
0x59: {  	_ =	shalt  }
0x5a: {  	_ =	shalt  }
0x5b: {  	_ =	shalt  }
0x5c: {  	_ =	shalt  }
0x5d: {  	_ =	shalt  }
0x5e: {  	_ =	shalt  }
0x5f: {  	_ =	shalt  }
0x60: {  	_ =	shalt  }
0x61: {  	_ =	shalt  }
0x62: {  	_ =	shalt  }
0x63: {  	_ =	shalt  }
0x64: {  	_ =	shalt  }
0x65: {  	_ =	shalt  }
0x66: {  	_ =	shalt  }
0x67: {  	_ =	shalt  }
0x68: {  	_ =	shalt  }
0x69: {  	_ =	shalt  }
0x6a: {  	_ =	shalt  }
0x6b: {  	_ =	shalt  }
0x6c: {  	_ =	shalt  }
0x6d: {  	_ =	shalt  }
0x6e: {  	_ =	shalt  }
0x6f: {  	_ =	shalt  }
0x70: {  	_ =	shalt  }
0x71: {  	_ =	shalt  }
0x72: {  	_ =	shalt  }
0x73: {  	_ =	shalt  }
0x74: {  	_ =	shalt  }
0x75: {  	_ =	shalt  }
0x76: {  	_ =	shalt  }
0x77: {  	_ =	shalt  }
0x78: {  	_ =	shalt  }
0x79: {  	_ =	shalt  }
0x7a: {  	_ =	shalt  }
0x7b: {  	_ =	shalt  }
0x7c: {  	_ =	shalt  }
0x7d: {  	_ =	shalt  }
0x7e: {  	_ =	shalt  }
0x7f: {  	_ =	shalt  }
0x80: {  	_ =	shalt  }
0x81: {  	_ =	shalt  }
0x82: {  	_ =	shalt  }
0x83: {  	_ =	shalt  }
0x84: {  	_ =	shalt  }
0x85: {  	_ =	shalt  }
0x86: {  	_ =	shalt  }
0x87: {  	_ =	shalt  }
.Lfunc_end0:
.L_simem_size_0:
called_computation_lowered:
.L_overlay_start_0:
0x88: {  	s2 =	sld [smem:$0x3FD9]  }
0x89: {  	s3 =	sld [smem:$0x3FFE];
	_ =	sdelay $0x1  }
0x8a: {  	s1 =	srdreg.scid  }
0x8b: {  	s0 =	sand.u32 $0x1, s1  }
0x8c: {  	s17 =	sshll.u32 s0, $0xA;
	s2 =	sadd.s32 s3, s2  }
0x8d: {  	s2 =	sadd.s32 s2, s17  }
0x8e: {  	[smem:$0x3FC6] =	sst s2  }
0x8f: {  	_ = 	snop  }
0x90: {  	s2 =	sld [smem:$0x3FC9]  }
0x91: {  	s18 =	sld [smem:$0x3FD0];
	(tm) =	ssettm $0x1  }
0x92: {  	s4 =	sld [smem:$0x3FFB];
	_ =	sdelay $0x3  }
0x93: {  	_ =	strace s4  }
0x94: {  	s4 =	sld [smem:$0x3FFC];
	_ =	sdelay $0x3  }
0x95: {  	_ =	strace s4  }
0x96: {  	s4 =	sld [smem:$0x3FFD];
	_ =	sdelay $0x3  }
0x97: {  	_ =	strace s4  }
0x98: {  	_ =	strace $0x8FFFFFFF  }
0x99: {  	s19 =	sld [smem:$0x3FDB];
	_ =	sdelay $0x1  }
0x9a: {  	s5 =	simm.s32 $_scs_section_size  }
0x9b: {  	s6 =	simm.s32 $_size__tile_overlayer_lowered;
	s7 =	simm.s32 $_tile_overlayer_lowered  }
0x9c: {  	s22 =	simm.s32 $0x1BFF;
	s21 =	sshll.u32 s7, $0x1;
	s4 =	sadd.s32 s5, s19  }
0x9d: {  	s8 =	simm.s32 $0x0;
	s20 =	sshll.u32 s6, $0x1;
	s6 =	sadd.s32 s21, s4  }
0x9e: {  	[timem:s8], [sflag:s22] =	dma.local [hbm:s6], s20  }
0x9f: {  	_ =	swait.ge [sflag:s22], s20  }
0xa0: {  	s5 =	ssub.s32 $0x0, s20;
	[sflag:s22] =	ssyncset.done $0x0  }
0xa1: {  	[sflag:s22] =	ssyncadd.s32 s5;
	_ =	sdelay $0x1  }
0xa2: {  	s23 =	simm.s32 $0x1B8B  }
0xa3: {  	_ =	swait.ge [sflag:s23], $0x1  }
0xa4: {  	[sflag:s23] =	ssyncset.done $0x0  }
0xa5: {  	s25 =	simm.s32 $0x1B8E;
	s24 =	sld [smem:$0x3FFE];
	[sflag:s23] =	ssyncadd.s32 $0xFFFFFFFF  }
0xa6: {  	s26 =	simm.s32 $execute0_lowered;
	[smem:$0x3FD2] =	sst s25  }
0xa7: {  	s6 =	sshll.u32 s26, $0x1;
	_ =	strace $0x80000046;
	[dreg:$0x1] =	wrdreg $0xFFFFFFFF  }
0xa8: {  	s28 =	simm.s32 $_size_execute0_lowered;
	s4 =	sadd.s32 s4, s6;
	[dreg:$0x0] =	wrdreg $0x0  }
0xa9: {  	s6 =	sshll.u32 s28, $0x1;
	[dreg:$0x2] =	wrdreg s4  }
0xaa: {  	[dreg:$0x3] =	wrdreg s6  }
0xab: {  	[dreg:$0x4] =	wrdreg $0xC0  }
0xac: {  	_ =	task [dreg:s8], $0x5FFFF  }
0xad: {  	[dreg:$0x1] =	wrdreg $0xFFFFFFFF  }
0xae: {  	[dreg:$0x0] =	wrdreg $0x60  }
0xaf: {  	[dreg:$0x2] =	wrdreg s2  }
0xb0: {  	[dreg:$0x3] =	wrdreg s24  }
0xb1: {  	[dreg:$0x4] =	wrdreg s18  }
0xb2: {  	[dreg:$0x5] =	wrdreg $0x9  }
0xb3: {  	_ =	task.clear_ibuf [dreg:s8], $0x6FFFF;
	_ =	strace $0x90000046  }
0xb4: {  	s29 =	simm.s32 $0x9;
	_ =	strace $0x80000048  }
0xb5: {  	_ =	swait.ge [sflag:s29], $0x1  }
0xb6: {  	[sflag:s29] =	ssyncadd.s32 $0xFFFFFFFF  }
0xb7: {  	_ =	strace $0x90000048  }
0xb8: {  	_ =	sfence  }
0xb9: {  	s30 =	sld [smem:$0x0];
	_ =	sdelay $0x2  }
0xba: {  	s31 =	sshll.u32 s1, $0xD;
	s1 =	sshrl.u32 s1, $0x2  }
0xbb: {  	s3 =	sand.u32 $0x4000, s31;
	s1 =	sadd.s32 s1, s30  }
0xbc: {  	s0 =	sor.u32 s3, s0;
	s1 =	sshll.u32 s1, $0x11  }
0xbd: {  	s0 =	sor.u32 s1, s0  }
0xbe: {  	s0 =	sadd.s32 $0x8F2B, s0  }
0xbf: {  	[sflag:s0] =	ssyncadd.remote.s32 $0x1  }
0xc0: {  	_ =	sfence.sel $0xFFFF  }
0xc1: {  	[dreg:$0x0] =	wrdreg $0xFFFFFFFF;
	(pc) =	sbr.abs _section_cstart, $3  }
0xc2: {  	[dreg:$0x1] =	wrdreg $0xFFFFFFFF  }
0xc3: {  	_ =	task.clear_ibuf [dreg:s8], $0x2FFFF;
	_ =	strace $0x9FFFFFFF  }
0xc4: {  	(tm) =	ssettm $0x7FFFFFFF  }
0xc5: {  	_ =	shalt  }
tec
execute0_lowered:
.L_overlay_start_1:
0x0: {  	(tag) =	ssettag $0x1  }
0x1: {  	s1 =	srdreg.scid  }
0x2: {  	s17 =	rddreg [dreg:$0x0];
	s0 =	stileid.u32;
	s18 =	sand.u32 $0x1, s1  }
0x3: {  	s3 =	rddreg [dreg:$0x1];
	s30 =	sshll.u32 s0, $0x7;
	s2 =	sshll.u32 s18, $0x6  }
0x4: {  	s19 =	rddreg [dreg:$0x2];
	s5 =	sor.u32 s2, s30  }
0x5: {  	s1 =	rddreg [dreg:$0x3];
	s2 =	simm.s32 $0x0;
	s4 =	sshrl.u32 s5, $0x3  }
0x6: {  	[smem:$0x7FF] =	sst s2;
	s3 =	sadd.s32 s4, s3  }
0x7: {  	_ =	strace $0x80000047;
	s4 =	simm.s32 $0x5;
	s3 =	sadd.s32 $0x200, s3  }
0x8: {  	[tilespmem:s2], [sflag:$0x5] =	stream.linear.gather [hbm4b:s3+s2], $0x40, $0x38;
	[tilespmem:$0x8080] =	vst v63  }
0x9: {  	_ =	swait.ge [sflag:s4], $0x40  }
0xa: {  	s6 =	simm.s32 $0x80;
	s20 =	sshll.u32 s5, $0x7;
	[sflag:s4] =	ssyncset.done $0x0  }
0xb: {  	s7 =	simm.s32 $0x1;
	s5 =	sadd.s32 s17, s20;
	[sflag:s4] =	ssyncadd.s32 $0xFFFFFFC0  }
0xc: {  	[tilespmem:s6], [sflag:$0x1] =	stream.linear.gather [hbm4b:s5+s2], $0x4000, $0x38;
	[tilespmem:$0x8080] =	vst v63  }
0xd: {  	_ =	swait.ge [sflag:s7], $0x4000  }
0xe: {  	[sflag:s7] =	ssyncset.done $0x0  }
0xf: {  	s8 =	sadd.s32 s19, s20;
	s12 =	sor.u32 $0x800, s20;
	[sflag:s7] =	ssyncadd.s32 $0xFFFFC000  }
0x10: {  	[hbm4b:s8+s2] =	stream.linear.scatter [tilespmem:s6], [sflag:$0x3], $0x4000, $0x38;
	[tilespmem:$0x8080] =	vst v63  }
0x11: {  	s10 =	simm.s32 $0x4080;
	s11 =	simm.s32 $0x2;
	s9 =	sadd.s32 s17, s12  }
0x12: {  	[tilespmem:s10], [sflag:$0x2] =	stream.linear.gather [hbm4b:s9+s2], $0x4000, $0x38;
	[tilespmem:$0x8080] =	vst v63  }
0x13: {  	_ =	swait.ge [sflag:s11], $0x4000  }
0x14: {  	[sflag:s11] =	ssyncset.done $0x0  }
0x15: {  	s13 =	simm.s32 $0x3;
	s12 =	sadd.s32 s19, s12;
	[sflag:s11] =	ssyncadd.s32 $0xFFFFC000  }
0x16: {  	[hbm4b:s12+s2] =	stream.linear.scatter [tilespmem:s10], [sflag:$0x4], $0x4000, $0x38;
	[tilespmem:$0x8080] =	vst v63  }
0x17: {  	_ =	swait.ge [sflag:s13], $0x4000  }
0x18: {  	s15 =	sor.u32 $0x1000, s20;
	[sflag:s13] =	ssyncset.done $0x0  }
0x19: {  	s14 =	sadd.s32 s17, s15;
	[sflag:s13] =	ssyncadd.s32 $0xFFFFC000  }
0x1a: {  	[tilespmem:s6], [sflag:$0x1] =	stream.linear.gather [hbm4b:s14+s2], $0x4000, $0x38;
	[tilespmem:$0x8080] =	vst v63  }
0x1b: {  	_ =	swait.ge [sflag:s7], $0x4000  }
0x1c: {  	[sflag:s7] =	ssyncset.done $0x0  }
0x1d: {  	s16 =	sadd.s32 s19, s15;
	s15 =	simm.s32 $0x4;
	[sflag:s7] =	ssyncadd.s32 $0xFFFFC000  }
0x1e: {  	[hbm4b:s16+s2] =	stream.linear.scatter [tilespmem:s6], [sflag:$0x3], $0x4000, $0x38;
	[tilespmem:$0x8080] =	vst v63  }
0x1f: {  	_ =	swait.ge [sflag:s15], $0x4000  }
0x20: {  	s21 =	ssub.s32 $0x2, s18;
	s20 =	sor.u32 $0x1800, s20;
	[sflag:s15] =	ssyncset.done $0x0  }
0x21: {  	s31 =	sshrl.u32 s21, $0x1;
	s17 =	sadd.s32 s17, s20;
	[sflag:s15] =	ssyncadd.s32 $0xFFFFC000  }
0x22: {  	[tilespmem:s10], [sflag:$0x2] =	stream.linear.gather [hbm4b:s17+s2], $0x4000, $0x38;
	[tilespmem:$0x8080] =	vst v63  }
0x23: {  	s18 =	sadd.s32 s19, s20;
	s19 =	ssub.s32 s21, s31;
	_ =	swait.ge [sflag:s11], $0x4000  }
0x24: {  	s19 =	smax.u32 s19, $0x1;
	[sflag:s11] =	ssyncset.done $0x0  }
0x25: {  	p0 =	sne.s32 s19, $0x1;
	[sflag:s11] =	ssyncadd.s32 $0xFFFFC000  }
0x26: {  	[hbm4b:s18+s2] =	stream.linear.scatter [tilespmem:s10], [sflag:$0x4], $0x4000, $0x38;
	[tilespmem:$0x8080] =	vst v63  }
.Ltmp0:
0x27: {  	_ =	swait.ge [sflag:s13], $0x4000;
	(pc) =	sbr.rel @!p0 .LBB2_2-.Ltmp0, $4  }
0x28: {  	[sflag:s13] =	ssyncset.done $0x0  }
0x29: {  	[sflag:s13] =	ssyncadd.s32 $0xFFFFC000  }
0x2a: {  	_ =	swait.ge [sflag:s15], $0x4000  }
0x2b: {  	s19 =	sadd.s32 $0xFFFFFFFF, s19;
	[sflag:s15] =	ssyncset.done $0x0  }
.LBB2_1:
0x2c: {  	p0 =	sne.s32 s19, $0x1;
	s19 =	sadd.s32 $0xFFFFFFFF, s19;
	[sflag:s15] =	ssyncadd.s32 $0xFFFFC000  }
0x2d: {  	[tilespmem:s2], [sflag:$0x5] =	stream.linear.gather [hbm4b:s3+s2], $0x40, $0x38;
	[tilespmem:$0x8080] =	vst v63  }
0x2e: {  	_ =	swait.ge [sflag:s4], $0x40  }
0x2f: {  	[sflag:s4] =	ssyncset.done $0x0  }
0x30: {  	[sflag:s4] =	ssyncadd.s32 $0xFFFFFFC0  }
0x31: {  	[tilespmem:s6], [sflag:$0x1] =	stream.linear.gather [hbm4b:s5+s2], $0x4000, $0x38;
	[tilespmem:$0x8080] =	vst v63  }
0x32: {  	_ =	swait.ge [sflag:s7], $0x4000  }
0x33: {  	[sflag:s7] =	ssyncset.done $0x0  }
0x34: {  	[sflag:s7] =	ssyncadd.s32 $0xFFFFC000  }
0x35: {  	[hbm4b:s8+s2] =	stream.linear.scatter [tilespmem:s6], [sflag:$0x3], $0x4000, $0x38;
	[tilespmem:$0x8080] =	vst v63  }
0x36: {  	_ = 	snop  }
0x37: {  	[tilespmem:s10], [sflag:$0x2] =	stream.linear.gather [hbm4b:s9+s2], $0x4000, $0x38;
	[tilespmem:$0x8080] =	vst v63  }
0x38: {  	_ =	swait.ge [sflag:s11], $0x4000  }
0x39: {  	[sflag:s11] =	ssyncset.done $0x0  }
0x3a: {  	[sflag:s11] =	ssyncadd.s32 $0xFFFFC000  }
0x3b: {  	[hbm4b:s12+s2] =	stream.linear.scatter [tilespmem:s10], [sflag:$0x4], $0x4000, $0x38;
	[tilespmem:$0x8080] =	vst v63  }
0x3c: {  	_ =	swait.ge [sflag:s13], $0x4000  }
0x3d: {  	[sflag:s13] =	ssyncset.done $0x0  }
0x3e: {  	[sflag:s13] =	ssyncadd.s32 $0xFFFFC000  }
0x3f: {  	[tilespmem:s6], [sflag:$0x1] =	stream.linear.gather [hbm4b:s14+s2], $0x4000, $0x38;
	[tilespmem:$0x8080] =	vst v63  }
0x40: {  	_ =	swait.ge [sflag:s7], $0x4000  }
0x41: {  	[sflag:s7] =	ssyncset.done $0x0  }
0x42: {  	[sflag:s7] =	ssyncadd.s32 $0xFFFFC000  }
0x43: {  	[hbm4b:s16+s2] =	stream.linear.scatter [tilespmem:s6], [sflag:$0x3], $0x4000, $0x38;
	[tilespmem:$0x8080] =	vst v63  }
0x44: {  	_ =	swait.ge [sflag:s15], $0x4000  }
0x45: {  	[sflag:s15] =	ssyncset.done $0x0  }
0x46: {  	[sflag:s15] =	ssyncadd.s32 $0xFFFFC000  }
0x47: {  	[tilespmem:s10], [sflag:$0x2] =	stream.linear.gather [hbm4b:s17+s2], $0x4000, $0x38;
	[tilespmem:$0x8080] =	vst v63  }
0x48: {  	_ =	swait.ge [sflag:s11], $0x4000  }
0x49: {  	[sflag:s11] =	ssyncset.done $0x0  }
0x4a: {  	[sflag:s11] =	ssyncadd.s32 $0xFFFFC000  }
0x4b: {  	[hbm4b:s18+s2] =	stream.linear.scatter [tilespmem:s10], [sflag:$0x4], $0x4000, $0x38;
	[tilespmem:$0x8080] =	vst v63  }
.Ltmp1:
0x4c: {  	_ =	swait.ge [sflag:s13], $0x4000;
	(pc) =	sbr.rel @p0 .LBB2_1-.Ltmp1, $4  }
0x4d: {  	[sflag:s13] =	ssyncset.done $0x0  }
0x4e: {  	[sflag:s13] =	ssyncadd.s32 $0xFFFFC000  }
0x4f: {  	_ =	swait.ge [sflag:s15], $0x4000  }
0x50: {  	[sflag:s15] =	ssyncset.done $0x0  }
.LBB2_2:
0x51: {  	[sflag:s15] =	ssyncadd.s32 $0xFFFFC000  }
0x52: {  	_ =	sfence.sel $0x180000  }
0x53: {  	[bflag:$0x0] =	sbarrier.arrive $0xFFFF  }
0x54: {  	p0 =	sne.s32 s0, $0x0;
	_ =	strace $0x90000047  }
0x55: {  	s0 =	sadd.s32 @!p0 $0x100000, s1;
	[bflag:$0x2] =	sbarrier.arrive $0xFFFF  }
0x56: {  	[sflag:s0] =	ssyncadd.tile.s32 @!p0 $0x1;
	_ =	shalt  }
.Lfunc_end2:
_tile_overlayer_lowered:
.L_overlay_start_2:
0x57: {  	(tag) =	ssettag $0x2  }
0x58: {  	s0 =	rddreg [dreg:$0x0];
	s2 =	stileid.u32  }
0x59: {  	s1 =	rddreg [dreg:$0x1];
	p0 =	sne.s32 s2, $0x0  }
0x5a: {  	s3 =	rddreg [dreg:$0x2];
	[bflag:$0x3] =	sbarrier.arrive $0xFFFF;
	s2 =	simm.s32 @!p0 $0x1C05  }
0x5b: {  	[timem:s3], [sflag:s2] =	dma.local @!p0 [hbm:s0], s1  }
0x5c: {  	s0 =	simm.s32 @!p0 $0x5  }
0x5d: {  	_ =	swait.ge @!p0 [sflag:s0], s1  }
0x5e: {  	s1 =	ssub.s32 @!p0 $0x0, s1;
	[sflag:s0] =	ssyncset.done @!p0 $0x0  }
0x5f: {  	[sflag:s0] =	ssyncadd.s32 @!p0 s1  }
0x60: {  	[bflag:$0x3] =	sbarrier.arrive $0xFFFF  }
0x61: {  	_ =	shalt  }

</sc_bundles>
